<compile_context>
chip_gen: v7x
topology: tpu7x:2x2x1
jax: 0.10.2.dev20260603
libtpu: 0.0.44.dev20260713+nightly
codegen_flags: <defaults>
</compile_context>

<pallas_src>
import functools

import jax
import jax.numpy as jnp
from jax import lax
from jax.experimental import pallas as pl
from jax.experimental.pallas import tpu as pltpu
from jax.experimental.pallas import tpu_sc as plsc

VOCAB = 1000
NE = 32
T = 8
BATCH = 4096
BF = BATCH * T

NC = 2
NS = 16
NW = NC * NS
BPW = BATCH // NW
L = 16


ROWS_PW = (T * NE) // NW


def _emb_body(tok_hbm, idx_hbm, xt_hbm, tok_v, idx_v, xtl_v):
    wid = lax.axis_index("s") * NC + lax.axis_index("c")
    t = (wid * ROWS_PW) // NE
    d0 = (wid * ROWS_PW) % NE
    pltpu.sync_copy(tok_hbm, tok_v)
    pltpu.sync_copy(idx_hbm.at[pl.ds(t * BATCH, BATCH)], idx_v)

    @plsc.parallel_loop(0, BATCH, step=L, unroll=8)
    def _(i):
        ti = idx_v[pl.ds(i, L)] + d0 * VOCAB
        for d in range(ROWS_PW):
            xtl_v[d, pl.ds(i, L)] = plsc.load_gather(tok_v, [ti + d * VOCAB])

    pltpu.sync_copy(xtl_v, xt_hbm.at[pl.ds(wid * ROWS_PW, ROWS_PW)])


@functools.cache
def _make_emb():
    return pl.kernel(
        _emb_body,
        out_type=jax.ShapeDtypeStruct((T * NE, BATCH), jnp.float32),
        mesh=plsc.VectorSubcoreMesh(
            core_axis_name="c", subcore_axis_name="s", num_cores=NC, num_subcores=NS
        ),
        scratch_types=[
            pltpu.VMEM((VOCAB * NE,), jnp.float32),
            pltpu.VMEM((BATCH,), jnp.int32),
            pltpu.VMEM((ROWS_PW, BATCH), jnp.float32),
        ],
        compiler_params=pltpu.CompilerParams(needs_layout_passes=False),
    )


BN = 2048


def _head_body(xt_ref, w_ref, pos_ref, b_ref, out_ref):
    w = w_ref[...]
    acc = lax.dot_general(
        w.astype(jnp.bfloat16),
        xt_ref[0].astype(jnp.bfloat16),
        (((1,), (0,)), ((), ())),
        preferred_element_type=jnp.float32,
    )
    pl_col = lax.dot_general(
        w,
        pos_ref[0],
        (((1,), (1,)), ((), ())),
        precision=lax.Precision.HIGHEST,
        preferred_element_type=jnp.float32,
    )
    out_ref[0] = acc + pl_col + b_ref[...]


_head = pl.pallas_call(
    _head_body,
    grid=(T, BATCH // BN),
    in_specs=[
        pl.BlockSpec((1, NE, BN), lambda t, nb: (t, 0, nb)),
        pl.BlockSpec((VOCAB, NE), lambda t, nb: (0, 0)),
        pl.BlockSpec((1, 1, NE), lambda t, nb: (t, 0, 0)),
        pl.BlockSpec((VOCAB, 1), lambda t, nb: (0, 0)),
    ],
    out_specs=pl.BlockSpec((1, VOCAB, BN), lambda t, nb: (t, 0, nb)),
    out_shape=jax.ShapeDtypeStruct((T, VOCAB, BATCH), jnp.float32),
)


def kernel(idx, tok_table, pos_table, W, b):
    idx_flat = idx.astype(jnp.int32).T.reshape(BF)
    tok_flat = tok_table.T.reshape(VOCAB * NE)
    xt = _make_emb()(tok_flat, idx_flat).reshape(T, NE, BATCH)
    ot = _head(xt, W, pos_table.reshape(T, 1, NE), b.reshape(VOCAB, 1))
    return jnp.transpose(ot, (2, 0, 1))

# --- scband reference (transcript-rebuilt; emitter-appended) ---
"""Pipeline reference for scband-bigram-language-model-23785528885583 (READ-ONLY COPY).

The authoritative reference and input builder live on the scoring server;
editing this copy changes nothing except your own understanding.
"""

import jax, jax.numpy as jnp
import numpy as np

VOCAB_SIZE = 1000
N_EMBED = 32
BLOCK_SIZE = 8
BATCH = 4096


def setup_inputs(seed: int = 0) -> dict:
    key = jax.random.key(seed)
    k1, k2, k3, k4, k5 = jax.random.split(key, 5)
    idx = jax.random.randint(k1, (BATCH, BLOCK_SIZE), 0, VOCAB_SIZE)
    # nn.Embedding default init: N(0, 1)
    tok_table = jax.random.normal(k2, (VOCAB_SIZE, N_EMBED), dtype=jnp.float32)
    pos_table = jax.random.normal(k3, (BLOCK_SIZE, N_EMBED), dtype=jnp.float32)
    # nn.Linear default init: U(-1/sqrt(in), 1/sqrt(in)); weight shape [out, in]
    bound = 1.0 / np.sqrt(N_EMBED)
    W = jax.random.uniform(k4, (VOCAB_SIZE, N_EMBED), minval=-bound, maxval=bound, dtype=jnp.float32)
    b = jax.random.uniform(k5, (VOCAB_SIZE,), minval=-bound, maxval=bound, dtype=jnp.float32)
    return {"idx": idx, "tok_table": tok_table, "pos_table": pos_table, "W": W, "b": b}


def reference(idx, tok_table, pos_table, W, b):
    # BigramLanguageModel.forward with targets=None
    B, T = idx.shape
    tok_emb = jnp.take(tok_table, idx, axis=0)          # [B, T, N_EMBED] gather
    pos_emb = jnp.take(pos_table, jnp.arange(T), axis=0)  # [T, N_EMBED]
    x = tok_emb + pos_emb                                # broadcast add
    logits = x @ W.T + b                                 # lm_head: [B, T, vocab]
    return logits

if __name__ == "__main__":
    import jax
    _d = setup_inputs()
    print(jax.jit(kernel)(*tuple(_d.values())))

</pallas_src>

<mosaic_0001>
#map = affine_map<(d0, d1) -> (0)>
#map1 = affine_map<(d0, d1) -> (0, 0)>
module attributes {stable_mosaic.version = 14 : i64} {
  func.func @_emb_body(%arg0: i32, %arg1: i32, %arg2: memref<32000xf32, #tpu.memory_space<hbm>>, %arg3: memref<32768xi32, #tpu.memory_space<hbm>>, %arg4: memref<256x4096xf32, #tpu.memory_space<hbm>>, %arg5: memref<32000xf32, #tpu.memory_space<vmem>>, %arg6: memref<4096xi32, #tpu.memory_space<vmem>>, %arg7: memref<8x4096xf32, #tpu.memory_space<vmem>>) attributes {dimension_semantics = [#tpu.dimension_semantics<core_parallel>, #tpu.dimension_semantics<subcore_parallel>], iteration_bounds = array<i64: 2, 16>, scalar_prefetch = 0 : i64, scratch_operands = 3 : i64, tpu.core_type = #tpu.core_type<sc_vector_subcore>, window_params = [{transform_indices = #map}, {transform_indices = #map}, {transform_indices = #map1}]} {
    %mul3A = arith.constant 2 : i32
    %mul3A_0 = arith.muli %arg1, %mul3A : i32
    %add3A = arith.addi %mul3A_0, %arg0 : i32
    %mul3A_1 = arith.constant 8 : i32
    %mul3A_2 = arith.muli %add3A, %mul3A_1 : i32
    %jit3A = arith.constant 32 : i32
    %div3A = arith.divsi %mul3A_2, %jit3A : i32
    %sign3A = arith.constant 0 : i32
    %sign3A_3 = arith.cmpi sgt, %mul3A_2, %sign3A : i32
    %sign3A_4 = arith.extui %sign3A_3 : i1 to i32
    %sign3A_5 = arith.constant 0 : i32
    %sign3A_6 = arith.cmpi slt, %mul3A_2, %sign3A_5 : i32
    %sign3A_7 = arith.extui %sign3A_6 : i1 to i32
    %sign3A_8 = arith.subi %sign3A_4, %sign3A_7 : i32
    %sign3A_9 = arith.constant 0 : i32
    %sign3A_10 = arith.cmpi sgt, %jit3A, %sign3A_9 : i32
    %sign3A_11 = arith.extui %sign3A_10 : i1 to i32
    %sign3A_12 = arith.constant 0 : i32
    %sign3A_13 = arith.cmpi slt, %jit3A, %sign3A_12 : i32
    %sign3A_14 = arith.extui %sign3A_13 : i1 to i32
    %sign3A_15 = arith.subi %sign3A_11, %sign3A_14 : i32
    %ne3A = arith.cmpi ne, %sign3A_8, %sign3A_15 : i32
    %rem3A = arith.remsi %mul3A_2, %jit3A : i32
    %ne3A_16 = arith.constant 0 : i32
    %ne3A_17 = arith.cmpi ne, %rem3A, %ne3A_16 : i32
    %and3A = arith.andi %ne3A, %ne3A_17 : i1
    %sub3A = arith.constant 1 : i32
    %sub3A_18 = arith.subi %div3A, %sub3A : i32
    %select_n3A = arith.select %and3A, %sub3A_18, %div3A : i32
    %mul3A_19 = arith.constant 8 : i32
    %mul3A_20 = arith.muli %add3A, %mul3A_19 : i32
    %jit3A_21 = arith.constant 32 : i32
    %eq3A = arith.constant 0 : i32
    %eq3A_22 = arith.cmpi eq, %jit3A_21, %eq3A : i32
    %jit3A_23 = arith.constant 1 : i32
    %select_n3A_24 = arith.select %eq3A_22, %jit3A_23, %jit3A_21 : i32
    %rem3A_25 = arith.remsi %mul3A_20, %select_n3A_24 : i32
    %ne3A_26 = arith.constant 0 : i32
    %ne3A_27 = arith.cmpi ne, %rem3A_25, %ne3A_26 : i32
    %lt3A = arith.constant 0 : i32
    %lt3A_28 = arith.cmpi slt, %rem3A_25, %lt3A : i32
    %lt3A_29 = arith.constant 0 : i32
    %lt3A_30 = arith.cmpi slt, %select_n3A_24, %lt3A_29 : i32
    %ne3A_31 = arith.xori %lt3A_28, %lt3A_30 : i1
    %and3A_32 = arith.andi %ne3A_31, %ne3A_27 : i1
    %add3A_33 = arith.addi %rem3A_25, %select_n3A_24 : i32
    %select_n3A_34 = arith.select %and3A_32, %add3A_33, %rem3A_25 : i32
    "tpu.region"() ({
      %run_scoped3A = tpu.sem_alloc : memref<!tpu.dma_semaphore, #tpu.memory_space<semaphore_mem>>
      tpu.enqueue_dma source(%arg2 : memref<32000xf32, #tpu.memory_space<hbm>>) target(%arg5 : memref<32000xf32, #tpu.memory_space<vmem>>) target_semaphore(%run_scoped3A : memref<!tpu.dma_semaphore, #tpu.memory_space<semaphore_mem>>)
      tpu.wait_dma2 semaphore(%run_scoped3A : memref<!tpu.dma_semaphore, #tpu.memory_space<semaphore_mem>>) src(%arg2 : memref<32000xf32, #tpu.memory_space<hbm>>) dst(%arg5 : memref<32000xf32, #tpu.memory_space<vmem>>)
      tpu.yield
    }) : () -> ()
    %mul3A_35 = arith.constant 4096 : i32
    %mul3A_36 = arith.muli %select_n3A, %mul3A_35 : i32
    "tpu.region"() ({
      %run_scoped3A = tpu.sem_alloc : memref<!tpu.dma_semaphore, #tpu.memory_space<semaphore_mem>>
      %dma_start3A = tpu.memref_slice %arg3[%mul3A_36] : memref<32768xi32, #tpu.memory_space<hbm>> -> memref<4096xi32, #tpu.memory_space<hbm>>
      %dma_start3A_41 = tpu.memref_slice %arg3[%mul3A_36] : memref<32768xi32, #tpu.memory_space<hbm>> -> memref<4096xi32, #tpu.memory_space<hbm>>
      tpu.enqueue_dma source(%dma_start3A_41 : memref<4096xi32, #tpu.memory_space<hbm>>) target(%arg6 : memref<4096xi32, #tpu.memory_space<vmem>>) target_semaphore(%run_scoped3A : memref<!tpu.dma_semaphore, #tpu.memory_space<semaphore_mem>>)
      %dma_wait3A = tpu.memref_slice %arg3[%mul3A_36] : memref<32768xi32, #tpu.memory_space<hbm>> -> memref<4096xi32, #tpu.memory_space<hbm>>
      %dma_wait3A_42 = tpu.memref_slice %arg3[%mul3A_36] : memref<32768xi32, #tpu.memory_space<hbm>> -> memref<4096xi32, #tpu.memory_space<hbm>>
      tpu.wait_dma2 semaphore(%run_scoped3A : memref<!tpu.dma_semaphore, #tpu.memory_space<semaphore_mem>>) src(%dma_wait3A_42 : memref<4096xi32, #tpu.memory_space<hbm>>) dst(%arg6 : memref<4096xi32, #tpu.memory_space<vmem>>)
      tpu.yield
    }) : () -> ()
    %parallel_loop3A = arith.constant 0 : i32
    %parallel_loop3A_37 = arith.constant 4096 : i32
    %parallel_loop3A_38 = arith.constant 16 : i32
    scf.for %parallel_loop3A_41 = %parallel_loop3A to %parallel_loop3A_37 step %parallel_loop3A_38  : i32 {
      %parallel_loop3A_42 = arith.index_cast %parallel_loop3A_41 : i32 to index
      %parallel_loop3A_43 = tpu.vector_load %arg6[%parallel_loop3A_42] {strides = array<i32>} : memref<4096xi32, #tpu.memory_space<vmem>>, vector<16xi32>,
      %parallel_loop3A_44 = arith.constant 1000 : i32
      %parallel_loop3A_45 = arith.muli %select_n3A_34, %parallel_loop3A_44 : i32
      %parallel_loop3A_46 = vector.broadcast %parallel_loop3A_45 : i32 to vector<16xi32>
      %parallel_loop3A_47 = arith.addi %parallel_loop3A_43, %parallel_loop3A_46 : vector<16xi32>
      %parallel_loop3A_48 = arith.constant 0 : i32
      %parallel_loop3A_49 = vector.broadcast %parallel_loop3A_48 : i32 to vector<16xi32>
      %parallel_loop3A_50 = arith.addi %parallel_loop3A_47, %parallel_loop3A_49 : vector<16xi32>
      %parallel_loop3A_51 = tpu.vector_load_idx %arg5[%parallel_loop3A_50] : memref<32000xf32, #tpu.memory_space<vmem>>[vector<16xi32>], vector<16xf32>,
      %parallel_loop3A_52 = arith.constant 0 : i32
      %parallel_loop3A_53 = arith.index_cast %parallel_loop3A_52 : i32 to index
      %parallel_loop3A_54 = arith.index_cast %parallel_loop3A_41 : i32 to index
      %parallel_loop3A_55 = tpu.vector_load %arg7[%parallel_loop3A_53, %parallel_loop3A_54] {strides = array<i32>} : memref<8x4096xf32, #tpu.memory_space<vmem>>, vector<16xf32>,
      tpu.vector_store %arg7[%parallel_loop3A_53, %parallel_loop3A_54], %parallel_loop3A_51 {strides = array<i32>} : memref<8x4096xf32, #tpu.memory_space<vmem>>, vector<16xf32>,
      %parallel_loop3A_56 = arith.constant 1000 : i32
      %parallel_loop3A_57 = vector.broadcast %parallel_loop3A_56 : i32 to vector<16xi32>
      %parallel_loop3A_58 = arith.addi %parallel_loop3A_47, %parallel_loop3A_57 : vector<16xi32>
      %parallel_loop3A_59 = tpu.vector_load_idx %arg5[%parallel_loop3A_58] : memref<32000xf32, #tpu.memory_space<vmem>>[vector<16xi32>], vector<16xf32>,
      %parallel_loop3A_60 = arith.constant 1 : i32
      %parallel_loop3A_61 = arith.index_cast %parallel_loop3A_60 : i32 to index
      %parallel_loop3A_62 = arith.index_cast %parallel_loop3A_41 : i32 to index
      %parallel_loop3A_63 = tpu.vector_load %arg7[%parallel_loop3A_61, %parallel_loop3A_62] {strides = array<i32>} : memref<8x4096xf32, #tpu.memory_space<vmem>>, vector<16xf32>,
      tpu.vector_store %arg7[%parallel_loop3A_61, %parallel_loop3A_62], %parallel_loop3A_59 {strides = array<i32>} : memref<8x4096xf32, #tpu.memory_space<vmem>>, vector<16xf32>,
      %parallel_loop3A_64 = arith.constant 2000 : i32
      %parallel_loop3A_65 = vector.broadcast %parallel_loop3A_64 : i32 to vector<16xi32>
      %parallel_loop3A_66 = arith.addi %parallel_loop3A_47, %parallel_loop3A_65 : vector<16xi32>
      %parallel_loop3A_67 = tpu.vector_load_idx %arg5[%parallel_loop3A_66] : memref<32000xf32, #tpu.memory_space<vmem>>[vector<16xi32>], vector<16xf32>,
      %parallel_loop3A_68 = arith.constant 2 : i32
      %parallel_loop3A_69 = arith.index_cast %parallel_loop3A_68 : i32 to index
      %parallel_loop3A_70 = arith.index_cast %parallel_loop3A_41 : i32 to index
      %parallel_loop3A_71 = tpu.vector_load %arg7[%parallel_loop3A_69, %parallel_loop3A_70] {strides = array<i32>} : memref<8x4096xf32, #tpu.memory_space<vmem>>, vector<16xf32>,
      tpu.vector_store %arg7[%parallel_loop3A_69, %parallel_loop3A_70], %parallel_loop3A_67 {strides = array<i32>} : memref<8x4096xf32, #tpu.memory_space<vmem>>, vector<16xf32>,
      %parallel_loop3A_72 = arith.constant 3000 : i32
      %parallel_loop3A_73 = vector.broadcast %parallel_loop3A_72 : i32 to vector<16xi32>
      %parallel_loop3A_74 = arith.addi %parallel_loop3A_47, %parallel_loop3A_73 : vector<16xi32>
      %parallel_loop3A_75 = tpu.vector_load_idx %arg5[%parallel_loop3A_74] : memref<32000xf32, #tpu.memory_space<vmem>>[vector<16xi32>], vector<16xf32>,
      %parallel_loop3A_76 = arith.constant 3 : i32
      %parallel_loop3A_77 = arith.index_cast %parallel_loop3A_76 : i32 to index
      %parallel_loop3A_78 = arith.index_cast %parallel_loop3A_41 : i32 to index
      %parallel_loop3A_79 = tpu.vector_load %arg7[%parallel_loop3A_77, %parallel_loop3A_78] {strides = array<i32>} : memref<8x4096xf32, #tpu.memory_space<vmem>>, vector<16xf32>,
      tpu.vector_store %arg7[%parallel_loop3A_77, %parallel_loop3A_78], %parallel_loop3A_75 {strides = array<i32>} : memref<8x4096xf32, #tpu.memory_space<vmem>>, vector<16xf32>,
      %parallel_loop3A_80 = arith.constant 4000 : i32
      %parallel_loop3A_81 = vector.broadcast %parallel_loop3A_80 : i32 to vector<16xi32>
      %parallel_loop3A_82 = arith.addi %parallel_loop3A_47, %parallel_loop3A_81 : vector<16xi32>
      %parallel_loop3A_83 = tpu.vector_load_idx %arg5[%parallel_loop3A_82] : memref<32000xf32, #tpu.memory_space<vmem>>[vector<16xi32>], vector<16xf32>,
      %parallel_loop3A_84 = arith.constant 4 : i32
      %parallel_loop3A_85 = arith.index_cast %parallel_loop3A_84 : i32 to index
      %parallel_loop3A_86 = arith.index_cast %parallel_loop3A_41 : i32 to index
      %parallel_loop3A_87 = tpu.vector_load %arg7[%parallel_loop3A_85, %parallel_loop3A_86] {strides = array<i32>} : memref<8x4096xf32, #tpu.memory_space<vmem>>, vector<16xf32>,
      tpu.vector_store %arg7[%parallel_loop3A_85, %parallel_loop3A_86], %parallel_loop3A_83 {strides = array<i32>} : memref<8x4096xf32, #tpu.memory_space<vmem>>, vector<16xf32>,
      %parallel_loop3A_88 = arith.constant 5000 : i32
      %parallel_loop3A_89 = vector.broadcast %parallel_loop3A_88 : i32 to vector<16xi32>
      %parallel_loop3A_90 = arith.addi %parallel_loop3A_47, %parallel_loop3A_89 : vector<16xi32>
      %parallel_loop3A_91 = tpu.vector_load_idx %arg5[%parallel_loop3A_90] : memref<32000xf32, #tpu.memory_space<vmem>>[vector<16xi32>], vector<16xf32>,
      %parallel_loop3A_92 = arith.constant 5 : i32
      %parallel_loop3A_93 = arith.index_cast %parallel_loop3A_92 : i32 to index
      %parallel_loop3A_94 = arith.index_cast %parallel_loop3A_41 : i32 to index
      %parallel_loop3A_95 = tpu.vector_load %arg7[%parallel_loop3A_93, %parallel_loop3A_94] {strides = array<i32>} : memref<8x4096xf32, #tpu.memory_space<vmem>>, vector<16xf32>,
      tpu.vector_store %arg7[%parallel_loop3A_93, %parallel_loop3A_94], %parallel_loop3A_91 {strides = array<i32>} : memref<8x4096xf32, #tpu.memory_space<vmem>>, vector<16xf32>,
      %parallel_loop3A_96 = arith.constant 6000 : i32
      %parallel_loop3A_97 = vector.broadcast %parallel_loop3A_96 : i32 to vector<16xi32>
      %parallel_loop3A_98 = arith.addi %parallel_loop3A_47, %parallel_loop3A_97 : vector<16xi32>
      %parallel_loop3A_99 = tpu.vector_load_idx %arg5[%parallel_loop3A_98] : memref<32000xf32, #tpu.memory_space<vmem>>[vector<16xi32>], vector<16xf32>,
      %parallel_loop3A_100 = arith.constant 6 : i32
      %parallel_loop3A_101 = arith.index_cast %parallel_loop3A_100 : i32 to index
      %parallel_loop3A_102 = arith.index_cast %parallel_loop3A_41 : i32 to index
      %parallel_loop3A_103 = tpu.vector_load %arg7[%parallel_loop3A_101, %parallel_loop3A_102] {strides = array<i32>} : memref<8x4096xf32, #tpu.memory_space<vmem>>, vector<16xf32>,
      tpu.vector_store %arg7[%parallel_loop3A_101, %parallel_loop3A_102], %parallel_loop3A_99 {strides = array<i32>} : memref<8x4096xf32, #tpu.memory_space<vmem>>, vector<16xf32>,
      %parallel_loop3A_104 = arith.constant 7000 : i32
      %parallel_loop3A_105 = vector.broadcast %parallel_loop3A_104 : i32 to vector<16xi32>
      %parallel_loop3A_106 = arith.addi %parallel_loop3A_47, %parallel_loop3A_105 : vector<16xi32>
      %parallel_loop3A_107 = tpu.vector_load_idx %arg5[%parallel_loop3A_106] : memref<32000xf32, #tpu.memory_space<vmem>>[vector<16xi32>], vector<16xf32>,
      %parallel_loop3A_108 = arith.constant 7 : i32
      %parallel_loop3A_109 = arith.index_cast %parallel_loop3A_108 : i32 to index
      %parallel_loop3A_110 = arith.index_cast %parallel_loop3A_41 : i32 to index
      %parallel_loop3A_111 = tpu.vector_load %arg7[%parallel_loop3A_109, %parallel_loop3A_110] {strides = array<i32>} : memref<8x4096xf32, #tpu.memory_space<vmem>>, vector<16xf32>,
      tpu.vector_store %arg7[%parallel_loop3A_109, %parallel_loop3A_110], %parallel_loop3A_107 {strides = array<i32>} : memref<8x4096xf32, #tpu.memory_space<vmem>>, vector<16xf32>,
    } {sc.loop_unroll_factor = 8 : i64, sc.parallel_access}
    %mul3A_39 = arith.constant 8 : i32
    %mul3A_40 = arith.muli %add3A, %mul3A_39 : i32
    "tpu.region"() ({
      %run_scoped3A = tpu.sem_alloc : memref<!tpu.dma_semaphore, #tpu.memory_space<semaphore_mem>>
      %dma_start3A = arith.constant 0 : i32
      %dma_start3A_41 = tpu.memref_slice %arg4[%mul3A_40, %dma_start3A] : memref<256x4096xf32, #tpu.memory_space<hbm>> -> memref<8x4096xf32, #tpu.memory_space<hbm>>
      %dma_start3A_42 = arith.constant 0 : i32
      %dma_start3A_43 = tpu.memref_slice %arg4[%mul3A_40, %dma_start3A_42] : memref<256x4096xf32, #tpu.memory_space<hbm>> -> memref<8x4096xf32, #tpu.memory_space<hbm>>
      tpu.enqueue_dma source(%arg7 : memref<8x4096xf32, #tpu.memory_space<vmem>>) target(%dma_start3A_43 : memref<8x4096xf32, #tpu.memory_space<hbm>>) target_semaphore(%run_scoped3A : memref<!tpu.dma_semaphore, #tpu.memory_space<semaphore_mem>>)
      %dma_wait3A = arith.constant 0 : i32
      %dma_wait3A_44 = tpu.memref_slice %arg4[%mul3A_40, %dma_wait3A] : memref<256x4096xf32, #tpu.memory_space<hbm>> -> memref<8x4096xf32, #tpu.memory_space<hbm>>
      %dma_wait3A_45 = arith.constant 0 : i32
      %dma_wait3A_46 = tpu.memref_slice %arg4[%mul3A_40, %dma_wait3A_45] : memref<256x4096xf32, #tpu.memory_space<hbm>> -> memref<8x4096xf32, #tpu.memory_space<hbm>>
      tpu.wait_dma2 semaphore(%run_scoped3A : memref<!tpu.dma_semaphore, #tpu.memory_space<semaphore_mem>>) src(%arg7 : memref<8x4096xf32, #tpu.memory_space<vmem>>) dst(%dma_wait3A_46 : memref<8x4096xf32, #tpu.memory_space<hbm>>)
      tpu.yield
    }) : () -> ()
    return
  }
}

module attributes {stable_mosaic.version = 14 : i64} {
  func.func @_head_body(%arg0: i32, %arg1: i32, %arg2: memref<1x32x2048xf32, #tpu.memory_space<vmem>>, %arg3: memref<1000x32xf32, #tpu.memory_space<vmem>>, %arg4: memref<1x1x32xf32, #tpu.memory_space<vmem>>, %arg5: memref<1000x1xf32, #tpu.memory_space<vmem>>, %arg6: memref<1x1000x2048xf32, #tpu.memory_space<vmem>>) attributes {dimension_semantics = [#tpu.dimension_semantics<arbitrary>, #tpu.dimension_semantics<arbitrary>], iteration_bounds = array<i64: 8, 2>, scalar_prefetch = 0 : i64, scratch_operands = 0 : i64, tpu.core_type = #tpu.core_type<tc>, window_params = [{transform_indices = @transform_0, window_bounds = array<i64: 1, 32, 2048>}, {pipeline_mode = #tpu.pipeline_mode<synchronous>, transform_indices = @transform_1, window_bounds = array<i64: 1000, 32>}, {transform_indices = @transform_2, window_bounds = array<i64: 1, 1, 32>}, {pipeline_mode = #tpu.pipeline_mode<synchronous>, transform_indices = @transform_3, window_bounds = array<i64: 1000, 1>}, {transform_indices = @transform_4, window_bounds = array<i64: 1, 1000, 2048>}]} {
    %get3A = arith.constant 0 : index
    %get3A_0 = arith.constant 0 : index
    %get3A_1 = vector.load %arg3[%get3A, %get3A_0] : memref<1000x32xf32, #tpu.memory_space<vmem>>, vector<1000x32xf32>
    %convert_element_type3A = arith.truncf %get3A_1 : vector<1000x32xf32> to vector<1000x32xbf16>
    %get3A_2 = arith.constant 0 : index
    %get3A_3 = arith.constant 0 : index
    %get3A_4 = arith.constant 0 : index
    %get3A_5 = vector.load %arg2[%get3A_2, %get3A_3, %get3A_4] : memref<1x32x2048xf32, #tpu.memory_space<vmem>>, vector<1x32x2048xf32>
    %get3A_6 = vector.shape_cast %get3A_5 : vector<1x32x2048xf32> to vector<32x2048xf32>
    %convert_element_type3A_7 = arith.truncf %get3A_6 : vector<32x2048xf32> to vector<32x2048xbf16>
    %dot_general3A = arith.constant dense<0.000000e+00> : vector<1000x2048xf32>
    %dot_general3A_8 = tpu.matmul %convert_element_type3A, %convert_element_type3A_7, %dot_general3A {dimension_numbers = #tpu.dot_dimension_numbers<[1], [0], [0], [1], [0, 0, 1, 1], [], []>, transpose_lhs_hint = false} : vector<1000x32xbf16>, vector<32x2048xbf16>, vector<1000x2048xf32> -> vector<1000x2048xf32>
    %get3A_9 = arith.constant 0 : index
    %get3A_10 = arith.constant 0 : index
    %get3A_11 = arith.constant 0 : index
    %get3A_12 = vector.load %arg4[%get3A_9, %get3A_10, %get3A_11] : memref<1x1x32xf32, #tpu.memory_space<vmem>>, vector<1x1x32xf32>
    %get3A_13 = vector.shape_cast %get3A_12 : vector<1x1x32xf32> to vector<1x32xf32>
    %dot_general3A_14 = arith.constant dense<0.000000e+00> : vector<1000x1xf32>
    %dot_general3A_15 = tpu.matmul %get3A_1, %get3A_13, %dot_general3A_14 {dimension_numbers = #tpu.dot_dimension_numbers<[1], [1], [0], [0], [0, 0, 1, 0], [], []>, precision = #tpu.contract_precision<fp32>, transpose_lhs_hint = false} : vector<1000x32xf32>, vector<1x32xf32>, vector<1000x1xf32> -> vector<1000x1xf32>
    %add3A = vector.broadcast %dot_general3A_15 : vector<1000x1xf32> to vector<1000x2048xf32>
    %add3A_16 = arith.addf %dot_general3A_8, %add3A : vector<1000x2048xf32>
    %get3A_17 = arith.constant 0 : index
    %get3A_18 = arith.constant 0 : index
    %get3A_19 = vector.load %arg5[%get3A_17, %get3A_18] : memref<1000x1xf32, #tpu.memory_space<vmem>>, vector<1000x1xf32>
    %add3A_20 = vector.broadcast %get3A_19 : vector<1000x1xf32> to vector<1000x2048xf32>
    %add3A_21 = arith.addf %add3A_16, %add3A_20 : vector<1000x2048xf32>
    %swap3A = arith.constant 0 : index
    %swap3A_22 = arith.constant 0 : index
    %swap3A_23 = arith.constant 0 : index
    %swap3A_24 = vector.load %arg6[%swap3A, %swap3A_22, %swap3A_23] : memref<1x1000x2048xf32, #tpu.memory_space<vmem>>, vector<1x1000x2048xf32>
    %swap3A_25 = vector.shape_cast %swap3A_24 : vector<1x1000x2048xf32> to vector<1000x2048xf32>
    %swap3A_26 = vector.shape_cast %add3A_21 : vector<1000x2048xf32> to vector<1x1000x2048xf32>
    tpu.vector_store %arg6[%swap3A, %swap3A_22, %swap3A_23], %swap3A_26 {strides = array<i32>} : memref<1x1000x2048xf32, #tpu.memory_space<vmem>>, vector<1x1000x2048xf32>,
    return
  }
  func.func @transform_0(%arg0: i32, %arg1: i32) -> (i32, i32, i32) {
    %c0_i32 = arith.constant 0 : i32
    %c0_i32_0 = arith.constant 0 : i32
    return %arg0, %c0_i32, %arg1 : i32, i32, i32
  }
  func.func @transform_1(%arg0: i32, %arg1: i32) -> (i32, i32) {
    %c0_i32 = arith.constant 0 : i32
    %c0_i32_0 = arith.constant 0 : i32
    %c0_i32_1 = arith.constant 0 : i32
    return %c0_i32, %c0_i32_0 : i32, i32
  }
  func.func @transform_2(%arg0: i32, %arg1: i32) -> (i32, i32, i32) {
    %c0_i32 = arith.constant 0 : i32
    %c0_i32_0 = arith.constant 0 : i32
    %c0_i32_1 = arith.constant 0 : i32
    return %arg0, %c0_i32, %c0_i32_0 : i32, i32, i32
  }
  func.func @transform_3(%arg0: i32, %arg1: i32) -> (i32, i32) {
    %c0_i32 = arith.constant 0 : i32
    %c0_i32_0 = arith.constant 0 : i32
    %c0_i32_1 = arith.constant 0 : i32
    return %c0_i32, %c0_i32_0 : i32, i32
  }
  func.func @transform_4(%arg0: i32, %arg1: i32) -> (i32, i32, i32) {
    %c0_i32 = arith.constant 0 : i32
    %c0_i32_0 = arith.constant 0 : i32
    return %arg0, %c0_i32, %arg1 : i32, i32, i32
  }
}

</mosaic_0001>

<sc_bundles>
// kernel: kernel.4.cloned.1.call-start
scs
__scs_entry_jumppad:
0x0: {  	(pc) =	sbr.rel $0x88, $3  }
0x1: {  	(tag) =	ssettag $0x0;
	lr =	simm.s32 $0x1  }
0x2: {  	[smem:$0x3F9C] =	sst lr;
	_ =	strace $0xD0000000  }
0x3: {  	_ = 	snop  }
0x4: {  	_ = 	snop  }
0x5: {  	_ = 	snop  }
0x6: {  	_ = 	snop  }
0x7: {  	_ = 	snop  }
__scs_overlays_trampoline_lowered:
0x8: {  	[smem:$0x3FAB] =	sst s0  }
0x9: {  	[smem:$0x3FAC] =	sst s1  }
0xa: {  	[smem:$0x3FAD] =	sst s2  }
0xb: {  	[smem:$0x3FAE] =	sst s3  }
0xc: {  	[smem:$0x3FAF] =	sst s4  }
0xd: {  	[smem:$0x3FB0] =	sst s5  }
0xe: {  	[smem:$0x3FB1] =	sst s6  }
0xf: {  	[smem:$0x3FB2] =	sst s7  }
0x10: {  	[smem:$0x3FB3] =	sst s8  }
0x11: {  	[smem:$0x3FB4] =	sst s9;
	s0 =	simm.s32 @!p0 $0x0  }
0x12: {  	s1 =	sld [smem:$0x3F9A];
	s0 =	simm.s32 @p0 $0x1  }
0x13: {  	[smem:$0x3FB5] =	sst s0;
	s0 =	simm.s32 @!p1 $0x0  }
0x14: {  	s2 =	sld [smem:$0x3F99];
	s0 =	simm.s32 @p1 $0x1  }
0x15: {  	[smem:$0x3FB6] =	sst s0;
	s0 =	simm.s32 @!p2 $0x0  }
0x16: {  	s3 =	sld [smem:$0x3FDB];
	s0 =	simm.s32 @p2 $0x1  }
0x17: {  	s4 =	simm.s32 $0x1BF5;
	[smem:$0x3FB8] =	sst s0  }
0x18: {  	s0 =	sld [smem:$0x3F9B];
	_ =	swait.ge [sflag:s4], $0x0  }
0x19: {  	s7 =	sld [smem:$0x3F9C]  }
0x1a: {  	s8 =	sadd.s32 $0xFFFFE003, lr  }
0x1b: {  	s9 =	sadd.s32 $0xFFFFFEF7, lr;
	s5 =	simm.s32 $0xFFFFFFFF;
	p2 =	slt.u32 s8, $0xFFFFF086  }
0x1c: {  	p1 =	slt.u32 s9, $0xF7A;
	s5 =	simm.s32 @!p2 $0x0  }
0x1d: {  	s5 =	simm.s32 @p1 $0x1;
	p0 =	seq.s32 s7, s2  }
0x1e: {  	s7 =	smul.u32 @!p0 $0xF7A, s2;
	p2 =	seq.s32 @!p0 s5, $0x0  }
0x1f: {  	s9 =	smul.u32 $0xF7A, s1;
	s8 =	simm.s32 @!p0 $0x1BF5;
	p2 =	por !p2, p0  }
0x20: {  	[sflag:s8] =	ssyncset.s32 @!p0 $0xFFFFF086;
	s6 =	sadd.s32 @!p0 s3, s7;
	s7 =	simm.s32 @!p0 $0x108  }
0x21: {  	s3 =	sadd.s32 s3, s9;
	s6 =	sadd.s32 @!p0 $0x88, s6;
	s7 =	simm.s32 @p2 $0x1082  }
0x22: {  	[simem:s7], [sflag:s8] =	dma.local @!p0 [hbm:s6], $0xF7A  }
0x23: {  	s9 =	sor.u32 $0xD0000000, s2;
	s6 =	simm.s32 $0x108;
	_ =	swait.ge @!p0 [sflag:s8], $0x0  }
0x24: {  	s3 =	sadd.s32 $0x88, s3;
	s6 =	simm.s32 @!p1 $0x1082;
	[sflag:s4] =	ssyncset.s32 $0xFFFFF086  }
0x25: {  	[simem:s6], [sflag:s4] =	dma.local [hbm:s3], $0xF7A  }
0x26: {  	[smem:$0x3F9C] =	sst s1;
	(tag) =	ssettag s2;
	_ =	strace s9  }
0x27: {  	s1 =	sld [smem:$0x3FAC]  }
0x28: {  	s2 =	sld [smem:$0x3FAD]  }
0x29: {  	s4 =	sld [smem:$0x3FAF]  }
0x2a: {  	p0 =	seq.s32 s5, $0x0;
	s5 =	sld [smem:$0x3FB0]  }
0x2b: {  	s6 =	sld [smem:$0x3FB1]  }
0x2c: {  	s7 =	sld [smem:$0x3FB2]  }
0x2d: {  	s3 =	simm.s32 $0x108;
	s8 =	sld [smem:$0x3FB3]  }
0x2e: {  	s3 =	simm.s32 @!p0 $0x1082;
	s9 =	sld [smem:$0x3FB4]  }
0x2f: {  	lr =	sadd.s32 s0, s3;
	s0 =	sld [smem:$0x3FAB]  }
0x30: {  	s3 =	sld [smem:$0x3FAE]  }
0x31: {  	[smem:$0x3FB7] =	sst s10  }
0x32: {  	s10 =	sld [smem:$0x3FB5];
	_ =	sdelay $0x3  }
0x33: {  	p0 =	seq.s32 s10, $0x1;
	s10 =	sld [smem:$0x3FB7];
	_ =	sdelay $0x3  }
0x34: {  	[smem:$0x3FB7] =	sst s10  }
0x35: {  	s10 =	sld [smem:$0x3FB6];
	_ =	sdelay $0x3  }
0x36: {  	p1 =	seq.s32 s10, $0x1;
	s10 =	sld [smem:$0x3FB7];
	_ =	sdelay $0x3  }
0x37: {  	[smem:$0x3FB7] =	sst s10  }
0x38: {  	s10 =	sld [smem:$0x3FB8]  }
0x39: {  	_ = 	snop;
	(pc) =	sbr.ind lr, $3  }
0x3a: {  	_ = 	snop  }
0x3b: {  	_ = 	snop  }
0x3c: {  	p2 =	seq.s32 s10, $0x1;
	s10 =	sld [smem:$0x3FB7]  }
0x3d: {  	_ =	shalt  }
0x3e: {  	_ =	shalt  }
0x3f: {  	_ =	shalt  }
0x40: {  	_ =	shalt  }
0x41: {  	_ =	shalt  }
0x42: {  	_ =	shalt  }
0x43: {  	_ =	shalt  }
0x44: {  	_ =	shalt  }
0x45: {  	_ =	shalt  }
0x46: {  	_ =	shalt  }
0x47: {  	_ =	shalt  }
0x48: {  	_ =	shalt  }
0x49: {  	_ =	shalt  }
0x4a: {  	_ =	shalt  }
0x4b: {  	_ =	shalt  }
0x4c: {  	_ =	shalt  }
0x4d: {  	_ =	shalt  }
0x4e: {  	_ =	shalt  }
0x4f: {  	_ =	shalt  }
0x50: {  	_ =	shalt  }
0x51: {  	_ =	shalt  }
0x52: {  	_ =	shalt  }
0x53: {  	_ =	shalt  }
0x54: {  	_ =	shalt  }
0x55: {  	_ =	shalt  }
0x56: {  	_ =	shalt  }
0x57: {  	_ =	shalt  }
0x58: {  	_ =	shalt  }
0x59: {  	_ =	shalt  }
0x5a: {  	_ =	shalt  }
0x5b: {  	_ =	shalt  }
0x5c: {  	_ =	shalt  }
0x5d: {  	_ =	shalt  }
0x5e: {  	_ =	shalt  }
0x5f: {  	_ =	shalt  }
0x60: {  	_ =	shalt  }
0x61: {  	_ =	shalt  }
0x62: {  	_ =	shalt  }
0x63: {  	_ =	shalt  }
0x64: {  	_ =	shalt  }
0x65: {  	_ =	shalt  }
0x66: {  	_ =	shalt  }
0x67: {  	_ =	shalt  }
0x68: {  	_ =	shalt  }
0x69: {  	_ =	shalt  }
0x6a: {  	_ =	shalt  }
0x6b: {  	_ =	shalt  }
0x6c: {  	_ =	shalt  }
0x6d: {  	_ =	shalt  }
0x6e: {  	_ =	shalt  }
0x6f: {  	_ =	shalt  }
0x70: {  	_ =	shalt  }
0x71: {  	_ =	shalt  }
0x72: {  	_ =	shalt  }
0x73: {  	_ =	shalt  }
0x74: {  	_ =	shalt  }
0x75: {  	_ =	shalt  }
0x76: {  	_ =	shalt  }
0x77: {  	_ =	shalt  }
0x78: {  	_ =	shalt  }
0x79: {  	_ =	shalt  }
0x7a: {  	_ =	shalt  }
0x7b: {  	_ =	shalt  }
0x7c: {  	_ =	shalt  }
0x7d: {  	_ =	shalt  }
0x7e: {  	_ =	shalt  }
0x7f: {  	_ =	shalt  }
0x80: {  	_ =	shalt  }
0x81: {  	_ =	shalt  }
0x82: {  	_ =	shalt  }
0x83: {  	_ =	shalt  }
0x84: {  	_ =	shalt  }
0x85: {  	_ =	shalt  }
0x86: {  	_ =	shalt  }
0x87: {  	_ =	shalt  }
.Lfunc_end0:
.L_simem_size_0:
called_computation_lowered:
.L_overlay_start_0:
0x88: {  	s2 =	sld [smem:$0x3FD9]  }
0x89: {  	s3 =	sld [smem:$0x3FFE];
	_ =	sdelay $0x1  }
0x8a: {  	s1 =	srdreg.scid  }
0x8b: {  	s0 =	sand.u32 $0x1, s1  }
0x8c: {  	s17 =	sshll.u32 s0, $0xA;
	s2 =	sadd.s32 s3, s2  }
0x8d: {  	s2 =	sadd.s32 s2, s17  }
0x8e: {  	[smem:$0x3FC3] =	sst s2  }
0x8f: {  	_ = 	snop  }
0x90: {  	s2 =	sld [smem:$0x3FD0];
	(tm) =	ssettm $0x1  }
0x91: {  	s18 =	sld [smem:$0x3FFB];
	_ =	sdelay $0x3  }
0x92: {  	_ =	strace s18  }
0x93: {  	s3 =	sld [smem:$0x3FFC];
	_ =	sdelay $0x3  }
0x94: {  	_ =	strace s3  }
0x95: {  	s3 =	sld [smem:$0x3FFD];
	_ =	sdelay $0x3  }
0x96: {  	_ =	strace s3  }
0x97: {  	_ =	strace $0x8FFFFFFF  }
0x98: {  	s19 =	sld [smem:$0x3FDB];
	_ =	sdelay $0x1  }
0x99: {  	s4 =	simm.s32 $_scs_section_size  }
0x9a: {  	s5 =	simm.s32 $_size__tile_overlayer_lowered;
	s6 =	simm.s32 $_tile_overlayer_lowered  }
0x9b: {  	s22 =	simm.s32 $0x1BFF;
	s21 =	sshll.u32 s6, $0x1;
	s3 =	sadd.s32 s4, s19  }
0x9c: {  	s7 =	simm.s32 $0x0;
	s20 =	sshll.u32 s5, $0x1;
	s5 =	sadd.s32 s21, s3  }
0x9d: {  	[timem:s7], [sflag:s22] =	dma.local [hbm:s5], s20  }
0x9e: {  	_ =	swait.ge [sflag:s22], s20  }
0x9f: {  	s4 =	ssub.s32 $0x0, s20;
	[sflag:s22] =	ssyncset.done $0x0  }
0xa0: {  	[sflag:s22] =	ssyncadd.s32 s4;
	_ =	sdelay $0x1  }
0xa1: {  	s23 =	simm.s32 $0x1B8B  }
0xa2: {  	_ =	swait.ge [sflag:s23], $0x1  }
0xa3: {  	[sflag:s23] =	ssyncset.done $0x0  }
0xa4: {  	s25 =	simm.s32 $0x1B8E;
	s24 =	sld [smem:$0x3FFE];
	[sflag:s23] =	ssyncadd.s32 $0xFFFFFFFF  }
0xa5: {  	s26 =	simm.s32 $execute0_lowered;
	[smem:$0x3FD2] =	sst s25  }
0xa6: {  	s5 =	sshll.u32 s26, $0x1;
	_ =	strace $0x80000046;
	[dreg:$0x1] =	wrdreg $0xFFFFFFFF  }
0xa7: {  	s28 =	simm.s32 $_size_execute0_lowered;
	s3 =	sadd.s32 s3, s5;
	[dreg:$0x0] =	wrdreg $0x0  }
0xa8: {  	s5 =	sshll.u32 s28, $0x1;
	[dreg:$0x2] =	wrdreg s3  }
0xa9: {  	[dreg:$0x3] =	wrdreg s5  }
0xaa: {  	[dreg:$0x4] =	wrdreg $0xC0  }
0xab: {  	_ =	task [dreg:s7], $0x5FFFF  }
0xac: {  	[dreg:$0x1] =	wrdreg $0xFFFFFFFF  }
0xad: {  	[dreg:$0x0] =	wrdreg $0x60  }
0xae: {  	[dreg:$0x2] =	wrdreg s24  }
0xaf: {  	[dreg:$0x3] =	wrdreg s2  }
0xb0: {  	[dreg:$0x4] =	wrdreg $0x9  }
0xb1: {  	_ =	task.clear_ibuf [dreg:s7], $0x5FFFF;
	_ =	strace $0x90000046  }
0xb2: {  	s29 =	simm.s32 $0x9;
	_ =	strace $0x80000048  }
0xb3: {  	_ =	swait.ge [sflag:s29], $0x1  }
0xb4: {  	[sflag:s29] =	ssyncadd.s32 $0xFFFFFFFF  }
0xb5: {  	_ =	strace $0x90000048  }
0xb6: {  	_ =	sfence  }
0xb7: {  	s30 =	sld [smem:$0x0];
	_ =	sdelay $0x2  }
0xb8: {  	s31 =	sshll.u32 s1, $0xD;
	s1 =	sshrl.u32 s1, $0x2  }
0xb9: {  	s3 =	sand.u32 $0x4000, s31;
	s1 =	sadd.s32 s1, s30  }
0xba: {  	s0 =	sor.u32 s3, s0;
	s1 =	sshll.u32 s1, $0x11  }
0xbb: {  	s0 =	sor.u32 s1, s0  }
0xbc: {  	s0 =	sadd.s32 $0x8F2B, s0  }
0xbd: {  	[sflag:s0] =	ssyncadd.remote.s32 $0x1  }
0xbe: {  	_ =	sfence.sel $0xFFFF  }
0xbf: {  	[dreg:$0x0] =	wrdreg $0xFFFFFFFF;
	(pc) =	sbr.abs _section_cstart, $3  }
0xc0: {  	[dreg:$0x1] =	wrdreg $0xFFFFFFFF  }
0xc1: {  	_ =	task.clear_ibuf [dreg:s7], $0x2FFFF;
	_ =	strace $0x9FFFFFFF  }
0xc2: {  	(tm) =	ssettm $0x7FFFFFFF  }
0xc3: {  	_ =	shalt  }
tec
execute0_lowered:
.L_overlay_start_1:
0x0: {  	(tag) =	ssettag $0x1  }
0x1: {  	s4 =	rddreg [dreg:$0x0]  }
0x2: {  	s5 =	rddreg [dreg:$0x1]  }
0x3: {  	s0 =	rddreg [dreg:$0x2];
	s2 =	simm.s32 $0x0;
	s1 =	stileid.u32  }
0x4: {  	s6 =	srdreg.scid;
	[smem:$0x7FF] =	sst s2;
	s3 =	sadd.s32 $0x1800, s4  }
0x5: {  	s7 =	sshll.u32 s1, $0x8;
	s6 =	sand.u32 $0x1, s6;
	s9 =	sshll.u32 s1, $0x4  }
0x6: {  	_ =	strace $0x80000047;
	s8 =	ssub.s32 $0x2, s6;
	s6 =	sshll.u32 s6, $0x3  }
0x7: {  	s7 =	sand.u32 $0xE00, s7;
	s10 =	sshrl.u32 s8, $0x1;
	s6 =	sor.u32 s6, s9  }
0x8: {  	s4 =	sadd.s32 s7, s4;
	s7 =	simm.s32 $0x1;
	s31 =	sand.u32 $0x18, s6  }
0x9: {  	s9 =	simm.s32 $0x8D00;
	s30 =	ssub.s32 s8, s10;
	s8 =	smul.u32 $0x3E8, s31  }
0xa: {  	s4 =	sadd.s32 $0x800, s4;
	s6 =	sshll.u32 s6, $0x9;
	s10 =	simm.s32 $0x0  }
0xb: {  	s5 =	sadd.s32 s5, s6;
	s6 =	smax.u32 s30, $0x1;
	v0 =	vmov s8;
	s8 =	simm.s32 $0x7D00  }
.LBB2_1:
0xc: {  	[tilespmem:s2], [sflag:$0x1] =	stream.linear.gather [hbm4b:s3+s2], $0x7D00, $0x38;
	[tilespmem:$0x10D00] =	vst v63  }
0xd: {  	_ =	swait.ge [sflag:s7], $0x7D00  }
0xe: {  	[sflag:s7] =	ssyncset.done $0x0  }
0xf: {  	[sflag:s7] =	ssyncadd.s32 $0xFFFF8300  }
0x10: {  	[tilespmem:s8], [sflag:$0x1] =	stream.linear.gather [hbm4b:s4+s2], $0x1000, $0x38;
	[tilespmem:$0x10D00] =	vst v63  }
0x11: {  	_ =	swait.ge [sflag:s7], $0x1000  }
0x12: {  	[sflag:s7] =	ssyncset.done $0x0  }
0x13: {  	s11 =	simm.s32 $0x7D40;
	[sflag:s7] =	ssyncadd.s32 $0xFFFFF000  }
0x14: {  	v1 =	vld [tilespmem:s11+$0x30]  }
0x15: {  	v2 =	vld [tilespmem:s11+$0xFFFFFFD0]  }
0x16: {  	v3 =	vld [tilespmem:s11+$0xFFFFFFE0]  }
0x17: {  	v4 =	vld [tilespmem:s11+$0xFFFFFFF0]  }
0x18: {  	v7 =	vld [tilespmem:s11+$0x0]  }
0x19: {  	v9 =	vld [tilespmem:s11+$0x10];
	v8 =	vadd.s32 v0, v1  }
0x1a: {  	v10 =	vld [tilespmem:s11+$0xFFFFFFC0];
	v6 =	vadd.s32 v0, v2  }
0x1b: {  	v2 =	vld [tilespmem:s11+$0x20];
	v5 =	vadd.s32 v0, v3  }
0x1c: {  	v4 =	vadd.s32 v0, v4  }
0x1d: {  	v3 =	vadd.s32 v0, v7  }
0x1e: {  	v1 =	vadd.s32 v0, v9;
	v9 =	vld.idx.msk [tilespmem:v8+s2+$0x0], $0xffff  }
0x1f: {  	v7 =	vadd.s32 v0, v10;
	v11 =	vld.idx.msk [tilespmem:v6+s2+$0x0], $0xffff  }
0x20: {  	v2 =	vadd.s32 v0, v2;
	v12 =	vld.idx.msk [tilespmem:v5+s2+$0x0], $0xffff  }
0x21: {  	v13 =	vadd.s32 $0x3E8, v8;
	v10 =	vld.idx.msk [tilespmem:v4+s2+$0x0], $0xffff  }
0x22: {  	v14 =	vadd.s32 $0x3E8, v6;
	v15 =	vld.idx.msk [tilespmem:v3+s2+$0x0], $0xffff  }
0x23: {  	s11 =	simm.s32 $0x8F00;
	v16 =	vadd.s32 $0x3E8, v5;
	v17 =	vld.idx.msk [tilespmem:v1+s2+$0x0], $0xffff  }
0x24: {  	v18 =	vadd.s32 $0x3E8, v4;
	v20 =	vld.idx.msk [tilespmem:v7+s2+$0x0], $0xffff;
	[tilespmem:s11+$0xFFFFFE70] =	vst v9  }
0x25: {  	v60 =	vadd.s32 $0x3E8, v1;
	v19 =	vld.idx.msk [tilespmem:v2+s2+$0x0], $0xffff;
	[tilespmem:s11+$0xFFFFFE10] =	vst v11  }
0x26: {  	v62 =	vadd.s32 $0x3E8, v7;
	[tilespmem:s11+$0xFFFFFE20] =	vst v12;
	v11 =	vld.idx.msk [tilespmem:v13+s2+$0x0], $0xffff  }
0x27: {  	v9 =	vadd.s32 $0x3E8, v3;
	[tilespmem:s11+$0xFFFFFE30] =	vst v10;
	v61 =	vld.idx.msk [tilespmem:v14+s2+$0x0], $0xffff  }
0x28: {  	v63 =	vadd.s32 $0x3E8, v2;
	[tilespmem:s11+$0xFFFFFE40] =	vst v15;
	v16 =	vld.idx.msk [tilespmem:v16+s2+$0x0], $0xffff  }
0x29: {  	v10 =	vadd.s32 $0x7D0, v8;
	[tilespmem:s11+$0xFFFFFE50] =	vst v17;
	v18 =	vld.idx.msk [tilespmem:v18+s2+$0x0], $0xffff  }
0x2a: {  	v24 =	vadd.s32 $0x7D0, v6;
	[tilespmem:s11+$0xFFFFFE00] =	vst v20;
	v13 =	vld.idx.msk [tilespmem:v60+s2+$0x0], $0xffff  }
0x2b: {  	v25 =	vadd.s32 $0x7D0, v5;
	v14 =	vld.idx.msk [tilespmem:v62+s2+$0x0], $0xffff;
	[tilespmem:s11+$0xFFFFFE60] =	vst v19  }
0x2c: {  	v29 =	vadd.s32 $0x7D0, v7;
	v9 =	vld.idx.msk [tilespmem:v9+s2+$0x0], $0xffff;
	[tilespmem:s11+$0xFFFFFEF0] =	vst v11  }
0x2d: {  	v30 =	vadd.s32 $0x7D0, v1;
	[tilespmem:s11+$0xFFFFFE90] =	vst v61;
	v27 =	vld.idx.msk [tilespmem:v63+s2+$0x0], $0xffff  }
0x2e: {  	v11 =	vadd.s32 $0x7D0, v4;
	[tilespmem:s11+$0xFFFFFEA0] =	vst v16;
	v10 =	vld.idx.msk [tilespmem:v10+s2+$0x0], $0xffff  }
0x2f: {  	v26 =	vadd.s32 $0x7D0, v3;
	[tilespmem:s11+$0xFFFFFEB0] =	vst v18;
	v17 =	vld.idx.msk [tilespmem:v24+s2+$0x0], $0xffff  }
0x30: {  	v28 =	vadd.s32 $0xBB8, v8;
	[tilespmem:s11+$0xFFFFFE80] =	vst v14;
	v19 =	vld.idx.msk [tilespmem:v25+s2+$0x0], $0xffff  }
0x31: {  	v31 =	vadd.s32 $0xBB8, v6;
	[tilespmem:s11+$0xFFFFFED0] =	vst v13;
	v16 =	vld.idx.msk [tilespmem:v29+s2+$0x0], $0xffff  }
0x32: {  	v36 =	vadd.s32 $0xBB8, v7;
	v34 =	vld.idx.msk [tilespmem:v30+s2+$0x0], $0xffff;
	[tilespmem:s11+$0xFFFFFEC0] =	vst v9  }
0x33: {  	v9 =	vadd.s32 $0x7D0, v2;
	v11 =	vld.idx.msk [tilespmem:v11+s2+$0x0], $0xffff;
	[tilespmem:s11+$0xFFFFFEE0] =	vst v27  }
0x34: {  	v20 =	vld.idx.msk [tilespmem:v26+s2+$0x0], $0xffff;
	[tilespmem:s11+$0xFFFFFF70] =	vst v10;
	v10 =	vadd.s32 $0xBB8, v5  }
0x35: {  	v33 =	vadd.s32 $0xBB8, v4;
	[tilespmem:s11+$0xFFFFFF10] =	vst v17;
	v32 =	vld.idx.msk [tilespmem:v28+s2+$0x0], $0xffff  }
0x36: {  	v37 =	vadd.s32 $0xBB8, v3;
	[tilespmem:s11+$0xFFFFFF00] =	vst v16;
	v13 =	vld.idx.msk [tilespmem:v31+s2+$0x0], $0xffff  }
0x37: {  	v35 =	vadd.s32 $0xFA0, v8;
	[tilespmem:s11+$0xFFFFFF20] =	vst v19;
	v18 =	vld.idx.msk [tilespmem:v36+s2+$0x0], $0xffff  }
0x38: {  	v39 =	vadd.s32 $0xFA0, v6;
	[tilespmem:s11+$0xFFFFFF50] =	vst v34;
	v9 =	vld.idx.msk [tilespmem:v9+s2+$0x0], $0xffff  }
0x39: {  	v43 =	vadd.s32 $0xFA0, v7;
	[tilespmem:s11+$0xFFFFFF30] =	vst v11;
	v10 =	vld.idx.msk [tilespmem:v10+s2+$0x0], $0xffff  }
0x3a: {  	v11 =	vadd.s32 $0xBB8, v1;
	[tilespmem:s11+$0xFFFFFF40] =	vst v20;
	v15 =	vld.idx.msk [tilespmem:v33+s2+$0x0], $0xffff  }
0x3b: {  	v38 =	vadd.s32 $0xBB8, v2;
	v42 =	vld.idx.msk [tilespmem:v37+s2+$0x0], $0xffff;
	[tilespmem:s11+$0xFFFFFFF0] =	vst v32  }
0x3c: {  	v41 =	vadd.s32 $0xFA0, v5;
	[tilespmem:s11+$0xFFFFFF90] =	vst v13;
	v40 =	vld.idx.msk [tilespmem:v35+s2+$0x0], $0xffff  }
0x3d: {  	v44 =	vadd.s32 $0xFA0, v4;
	[tilespmem:s11+$0xFFFFFF80] =	vst v18;
	v14 =	vld.idx.msk [tilespmem:v39+s2+$0x0], $0xffff  }
0x3e: {  	v45 =	vadd.s32 $0xFA0, v3;
	v19 =	vld.idx.msk [tilespmem:v43+s2+$0x0], $0xffff;
	[tilespmem:s11+$0xFFFFFF60] =	vst v9  }
0x3f: {  	v9 =	vadd.s32 $0x1388, v8;
	v11 =	vld.idx.msk [tilespmem:v11+s2+$0x0], $0xffff;
	[tilespmem:s11+$0xFFFFFFA0] =	vst v10  }
0x40: {  	v48 =	vadd.s32 $0x1388, v6;
	v10 =	vld.idx.msk [tilespmem:v38+s2+$0x0], $0xffff;
	[tilespmem:s11+$0xFFFFFFB0] =	vst v15  }
0x41: {  	v50 =	vadd.s32 $0x1388, v7;
	[tilespmem:s11+$0xFFFFFFC0] =	vst v42;
	v17 =	vld.idx.msk [tilespmem:v41+s2+$0x0], $0xffff  }
0x42: {  	v46 =	vadd.s32 $0xFA0, v1;
	v49 =	vld.idx.msk [tilespmem:v44+s2+$0x0], $0xffff;
	[tilespmem:s11+$0x70] =	vst v40  }
0x43: {  	v47 =	vadd.s32 $0xFA0, v2;
	v20 =	vld.idx.msk [tilespmem:v45+s2+$0x0], $0xffff;
	[tilespmem:s11+$0x10] =	vst v14  }
0x44: {  	v52 =	vadd.s32 $0x1388, v4;
	[tilespmem:s11+$0x0] =	vst v19;
	v9 =	vld.idx.msk [tilespmem:v9+s2+$0x0], $0xffff  }
0x45: {  	v53 =	vadd.s32 $0x1388, v3;
	v18 =	vld.idx.msk [tilespmem:v48+s2+$0x0], $0xffff;
	[tilespmem:s11+$0xFFFFFFD0] =	vst v11  }
0x46: {  	v13 =	vld.idx.msk [tilespmem:v50+s2+$0x0], $0xffff;
	v11 =	vadd.s32 $0x1770, v8;
	[tilespmem:s11+$0xFFFFFFE0] =	vst v10  }
0x47: {  	v55 =	vadd.s32 $0x1770, v7;
	v51 =	vld.idx.msk [tilespmem:v46+s2+$0x0], $0xffff;
	[tilespmem:s11+$0x20] =	vst v17  }
0x48: {  	v10 =	vadd.s32 $0x1388, v5;
	v16 =	vld.idx.msk [tilespmem:v47+s2+$0x0], $0xffff;
	[tilespmem:s11+$0x30] =	vst v49  }
0x49: {  	v56 =	vadd.s32 $0x1770, v6;
	[tilespmem:s11+$0x40] =	vst v20;
	v15 =	vld.idx.msk [tilespmem:v52+s2+$0x0], $0xffff  }
0x4a: {  	v54 =	vadd.s32 $0x1388, v2;
	v17 =	vld.idx.msk [tilespmem:v53+s2+$0x0], $0xffff;
	[tilespmem:s11+$0xF0] =	vst v9  }
0x4b: {  	v9 =	vadd.s32 $0x1388, v1;
	[tilespmem:s11+$0x80] =	vst v13;
	v11 =	vld.idx.msk [tilespmem:v11+s2+$0x0], $0xffff  }
0x4c: {  	v58 =	vadd.s32 $0x1770, v4;
	[tilespmem:s11+$0x90] =	vst v18;
	v12 =	vld.idx.msk [tilespmem:v55+s2+$0x0], $0xffff  }
0x4d: {  	v8 =	vadd.s32 $0x1B58, v8;
	v10 =	vld.idx.msk [tilespmem:v10+s2+$0x0], $0xffff;
	[tilespmem:s11+$0x50] =	vst v51  }
0x4e: {  	v57 =	vadd.s32 $0x1770, v5;
	v14 =	vld.idx.msk [tilespmem:v56+s2+$0x0], $0xffff;
	[tilespmem:s11+$0x60] =	vst v16  }
0x4f: {  	v7 =	vadd.s32 $0x1B58, v7;
	v19 =	vld.idx.msk [tilespmem:v54+s2+$0x0], $0xffff;
	[tilespmem:s11+$0xB0] =	vst v15  }
0x50: {  	v9 =	vld.idx.msk [tilespmem:v9+s2+$0x0], $0xffff;
	[tilespmem:s11+$0x170] =	vst v11;
	v11 =	vadd.s32 $0x1770, v3  }
0x51: {  	v59 =	vadd.s32 $0x1770, v1;
	[tilespmem:s11+$0xC0] =	vst v17;
	v61 =	vld.idx.msk [tilespmem:v58+s2+$0x0], $0xffff  }
0x52: {  	v8 =	vld.idx.msk [tilespmem:v8+s2+$0x0], $0xffff;
	[tilespmem:s11+$0xA0] =	vst v10;
	v10 =	vadd.s32 $0x1770, v2  }
0x53: {  	v6 =	vadd.s32 $0x1B58, v6;
	[tilespmem:s11+$0x100] =	vst v12;
	v60 =	vld.idx.msk [tilespmem:v57+s2+$0x0], $0xffff  }
0x54: {  	v62 =	vadd.s32 $0x1B58, v4;
	v5 =	vadd.s32 $0x1B58, v5;
	[tilespmem:s11+$0x110] =	vst v14;
	v4 =	vld.idx.msk [tilespmem:v7+s2+$0x0], $0xffff  }
0x55: {  	[tilespmem:s11+$0xD0] =	vst v9;
	v11 =	vld.idx.msk [tilespmem:v11+s2+$0x0], $0xffff  }
0x56: {  	v63 =	vadd.s32 $0x1B58, v3;
	[tilespmem:s11+$0xE0] =	vst v19;
	v13 =	vld.idx.msk [tilespmem:v59+s2+$0x0], $0xffff  }
0x57: {  	[tilespmem:s11+$0x1F0] =	vst v8;
	v9 =	vld.idx.msk [tilespmem:v10+s2+$0x0], $0xffff  }
0x58: {  	v8 =	vld.idx.msk [tilespmem:v6+s2+$0x0], $0xffff;
	[tilespmem:s11+$0x120] =	vst v60  }
0x59: {  	[tilespmem:s11+$0x130] =	vst v61;
	v6 =	vld.idx.msk [tilespmem:v5+s2+$0x0], $0xffff  }
0x5a: {  	v5 =	vld.idx.msk [tilespmem:v62+s2+$0x0], $0xffff;
	[tilespmem:s11+$0x140] =	vst v11  }
0x5b: {  	s12 =	simm.s32 $0x0;
	s13 =	simm.s32 $0x7DC0;
	v3 =	vadd.s32 $0x1B58, v1;
	v2 =	vadd.s32 $0x1B58, v2;
	[tilespmem:s11+$0x150] =	vst v13;
	v7 =	vld.idx.msk [tilespmem:v63+s2+$0x0], $0xffff  }
.LBB2_2:
0x5c: {  	v1 =	vld [tilespmem:s13+$0x30];
	s12 =	sadd.s32 $0x80, s12;
	[tilespmem:s11+$0x160] =	vst v9  }
0x5d: {  	v9 =	vld [tilespmem:s13+$0xFFFFFFD0];
	p0 =	slt.u32 s12, $0xF80;
	[tilespmem:s11+$0x180] =	vst v4  }
0x5e: {  	v4 =	vld [tilespmem:s13+$0xFFFFFFE0];
	[tilespmem:s11+$0x190] =	vst v8  }
0x5f: {  	v8 =	vld [tilespmem:s13+$0xFFFFFFF0];
	[tilespmem:s11+$0x1A0] =	vst v6  }
0x60: {  	v6 =	vld [tilespmem:s13+$0x0];
	[tilespmem:s11+$0x1B0] =	vst v5  }
0x61: {  	v5 =	vld [tilespmem:s13+$0x10];
	v1 =	vadd.s32 v0, v1;
	[tilespmem:s11+$0x1C0] =	vst v7  }
0x62: {  	v7 =	vadd.s32 v0, v9;
	v9 =	vld [tilespmem:s13+$0x20]  }
0x63: {  	v10 =	vld [tilespmem:s13+$0xFFFFFFC0];
	v11 =	vadd.s32 $0x3E8, v7;
	v18 =	vadd.s32 $0x7D0, v7;
	v19 =	vadd.s32 v0, v4  }
0x64: {  	v4 =	vadd.s32 $0x3E8, v19;
	v20 =	vadd.s32 $0x7D0, v19;
	v21 =	vadd.s32 v0, v8;
	v3 =	vld.idx.msk [tilespmem:v3+s2+$0x0], $0xffff  }
0x65: {  	v8 =	vadd.s32 $0x3E8, v21;
	v22 =	vadd.s32 $0x7D0, v21;
	v23 =	vadd.s32 v0, v6;
	v2 =	vld.idx.msk [tilespmem:v2+s2+$0x0], $0xffff  }
0x66: {  	v6 =	vadd.s32 $0x3E8, v23;
	v24 =	vadd.s32 $0x7D0, v23;
	v25 =	vadd.s32 v0, v5;
	v5 =	vld.idx.msk [tilespmem:v1+s2+$0x0], $0xffff  }
0x67: {  	v12 =	vld.idx.msk [tilespmem:v7+s2+$0x0], $0xffff;
	v13 =	vadd.s32 $0x3E8, v25;
	v26 =	vadd.s32 $0x7D0, v25;
	v27 =	vadd.s32 v0, v9  }
0x68: {  	v14 =	vadd.s32 $0x3E8, v1;
	v9 =	vadd.s32 v0, v10;
	v10 =	vld.idx.msk [tilespmem:v19+s2+$0x0], $0xffff;
	v28 =	vadd.s32 $0x3E8, v27  }
0x69: {  	v31 =	vadd.s32 $0x7D0, v27;
	v29 =	vadd.s32 $0x3E8, v9;
	v30 =	vadd.s32 $0x7D0, v9;
	v15 =	vld.idx.msk [tilespmem:v21+s2+$0x0], $0xffff  }
0x6a: {  	v33 =	vadd.s32 $0xBB8, v7;
	v34 =	vadd.s32 $0xBB8, v19;
	v32 =	vadd.s32 $0xBB8, v9;
	v17 =	vld.idx.msk [tilespmem:v23+s2+$0x0], $0xffff;
	[tilespmem:s11+$0x1D0] =	vst v3  }
0x6b: {  	v35 =	vadd.s32 $0xBB8, v21;
	v36 =	vadd.s32 $0xBB8, v23;
	v37 =	vadd.s32 $0xBB8, v25;
	v3 =	vld.idx.msk [tilespmem:v25+s2+$0x0], $0xffff;
	[tilespmem:s11+$0x1E0] =	vst v2;
	s11 =	sadd.s32 $0x400, s11  }
0x6c: {  	v39 =	vadd.s32 $0xFA0, v7;
	v40 =	vadd.s32 $0xBB8, v27;
	v38 =	vadd.s32 $0xFA0, v9;
	v2 =	vld.idx.msk [tilespmem:v27+s2+$0x0], $0xffff;
	[tilespmem:s11+$0xFFFFFE70] =	vst v5  }
0x6d: {  	v41 =	vadd.s32 $0xFA0, v19;
	v42 =	vadd.s32 $0xFA0, v21;
	v43 =	vadd.s32 $0xFA0, v23;
	[tilespmem:s11+$0xFFFFFE10] =	vst v12;
	v5 =	vld.idx.msk [tilespmem:v14+s2+$0x0], $0xffff  }
0x6e: {  	v45 =	vadd.s32 $0xFA0, v25;
	v46 =	vadd.s32 $0xFA0, v27;
	v16 =	vadd.s32 $0x1388, v9;
	v44 =	vld.idx.msk [tilespmem:v9+s2+$0x0], $0xffff;
	[tilespmem:s11+$0xFFFFFE20] =	vst v10  }
0x6f: {  	v50 =	vadd.s32 $0x7D0, v1;
	v48 =	vadd.s32 $0x1388, v7;
	v49 =	vadd.s32 $0x1388, v19;
	v47 =	vld.idx.msk [tilespmem:v11+s2+$0x0], $0xffff;
	[tilespmem:s11+$0xFFFFFE30] =	vst v15  }
0x70: {  	v52 =	vadd.s32 $0x1388, v21;
	v53 =	vadd.s32 $0x1388, v23;
	v51 =	vld.idx.msk [tilespmem:v4+s2+$0x0], $0xffff;
	[tilespmem:s11+$0xFFFFFE40] =	vst v17;
	v17 =	vadd.s32 $0x1388, v25  }
0x71: {  	v55 =	vadd.s32 $0x1388, v27;
	v14 =	vadd.s32 $0x1770, v9;
	v11 =	vadd.s32 $0x1770, v7;
	v54 =	vld.idx.msk [tilespmem:v8+s2+$0x0], $0xffff;
	[tilespmem:s11+$0xFFFFFE50] =	vst v3  }
0x72: {  	v12 =	vadd.s32 $0x1770, v21;
	v10 =	vadd.s32 $0x1770, v23;
	v15 =	vadd.s32 $0x1770, v19;
	v56 =	vld.idx.msk [tilespmem:v6+s2+$0x0], $0xffff;
	[tilespmem:s11+$0xFFFFFE60] =	vst v2  }
0x73: {  	v4 =	vadd.s32 $0x1B58, v9;
	v9 =	vadd.s32 $0x1770, v27;
	v57 =	vld.idx.msk [tilespmem:v13+s2+$0x0], $0xffff;
	v13 =	vadd.s32 $0x1770, v25;
	[tilespmem:s11+$0xFFFFFEF0] =	vst v5  }
0x74: {  	v8 =	vadd.s32 $0x1B58, v7;
	v6 =	vadd.s32 $0x1B58, v19;
	v5 =	vadd.s32 $0x1B58, v21;
	[tilespmem:s11+$0xFFFFFE00] =	vst v44;
	v19 =	vld.idx.msk [tilespmem:v50+s2+$0x0], $0xffff  }
0x75: {  	v7 =	vadd.s32 $0x1B58, v23;
	v3 =	vadd.s32 $0x1B58, v25;
	v2 =	vadd.s32 $0x1B58, v27;
	v21 =	vld.idx.msk [tilespmem:v29+s2+$0x0], $0xffff;
	[tilespmem:s11+$0xFFFFFE90] =	vst v47  }
0x76: {  	v25 =	vadd.s32 $0xBB8, v1;
	[tilespmem:s11+$0xFFFFFEA0] =	vst v51;
	v23 =	vld.idx.msk [tilespmem:v28+s2+$0x0], $0xffff  }
0x77: {  	v18 =	vld.idx.msk [tilespmem:v18+s2+$0x0], $0xffff;
	[tilespmem:s11+$0xFFFFFEB0] =	vst v54  }
0x78: {  	v20 =	vld.idx.msk [tilespmem:v20+s2+$0x0], $0xffff;
	[tilespmem:s11+$0xFFFFFEC0] =	vst v56  }
0x79: {  	v22 =	vld.idx.msk [tilespmem:v22+s2+$0x0], $0xffff;
	[tilespmem:s11+$0xFFFFFED0] =	vst v57  }
0x7a: {  	v24 =	vld.idx.msk [tilespmem:v24+s2+$0x0], $0xffff;
	[tilespmem:s11+$0xFFFFFF70] =	vst v19  }
0x7b: {  	[tilespmem:s11+$0xFFFFFE80] =	vst v21;
	v19 =	vld.idx.msk [tilespmem:v25+s2+$0x0], $0xffff  }
0x7c: {  	v21 =	vld.idx.msk [tilespmem:v30+s2+$0x0], $0xffff;
	[tilespmem:s11+$0xFFFFFEE0] =	vst v23  }
0x7d: {  	v23 =	vadd.s32 $0xFA0, v1;
	[tilespmem:s11+$0xFFFFFF10] =	vst v18;
	v18 =	vld.idx.msk [tilespmem:v26+s2+$0x0], $0xffff  }
0x7e: {  	[tilespmem:s11+$0xFFFFFF20] =	vst v20;
	v20 =	vld.idx.msk [tilespmem:v31+s2+$0x0], $0xffff  }
0x7f: {  	v25 =	vld.idx.msk [tilespmem:v33+s2+$0x0], $0xffff;
	[tilespmem:s11+$0xFFFFFF30] =	vst v22  }
0x80: {  	v22 =	vld.idx.msk [tilespmem:v34+s2+$0x0], $0xffff;
	[tilespmem:s11+$0xFFFFFF40] =	vst v24  }
0x81: {  	v24 =	vld.idx.msk [tilespmem:v35+s2+$0x0], $0xffff;
	[tilespmem:s11+$0xFFFFFFF0] =	vst v19  }
0x82: {  	[tilespmem:s11+$0xFFFFFF00] =	vst v21;
	v19 =	vld.idx.msk [tilespmem:v23+s2+$0x0], $0xffff  }
0x83: {  	v21 =	vld.idx.msk [tilespmem:v32+s2+$0x0], $0xffff;
	[tilespmem:s11+$0xFFFFFF50] =	vst v18  }
0x84: {  	v18 =	vld.idx.msk [tilespmem:v36+s2+$0x0], $0xffff;
	[tilespmem:s11+$0xFFFFFF60] =	vst v20;
	v20 =	vadd.s32 $0x1388, v1  }
0x85: {  	[tilespmem:s11+$0xFFFFFF90] =	vst v25;
	v23 =	vld.idx.msk [tilespmem:v37+s2+$0x0], $0xffff  }
0x86: {  	[tilespmem:s11+$0xFFFFFFA0] =	vst v22;
	v22 =	vld.idx.msk [tilespmem:v40+s2+$0x0], $0xffff  }
0x87: {  	v25 =	vld.idx.msk [tilespmem:v39+s2+$0x0], $0xffff;
	[tilespmem:s11+$0xFFFFFFB0] =	vst v24  }
0x88: {  	v24 =	vld.idx.msk [tilespmem:v41+s2+$0x0], $0xffff;
	[tilespmem:s11+$0x70] =	vst v19  }
0x89: {  	[tilespmem:s11+$0xFFFFFF80] =	vst v21;
	v19 =	vld.idx.msk [tilespmem:v20+s2+$0x0], $0xffff  }
0x8a: {  	v20 =	vld.idx.msk [tilespmem:v38+s2+$0x0], $0xffff;
	[tilespmem:s11+$0xFFFFFFC0] =	vst v18  }
0x8b: {  	v21 =	vadd.s32 $0x1770, v1;
	v18 =	vld.idx.msk [tilespmem:v42+s2+$0x0], $0xffff;
	[tilespmem:s11+$0xFFFFFFD0] =	vst v23  }
0x8c: {  	v23 =	vld.idx.msk [tilespmem:v43+s2+$0x0], $0xffff;
	[tilespmem:s11+$0xFFFFFFE0] =	vst v22  }
0x8d: {  	[tilespmem:s11+$0x10] =	vst v25;
	v22 =	vld.idx.msk [tilespmem:v45+s2+$0x0], $0xffff  }
0x8e: {  	[tilespmem:s11+$0x20] =	vst v24;
	v24 =	vld.idx.msk [tilespmem:v46+s2+$0x0], $0xffff  }
0x8f: {  	v25 =	vld.idx.msk [tilespmem:v48+s2+$0x0], $0xffff;
	[tilespmem:s11+$0xF0] =	vst v19  }
0x90: {  	[tilespmem:s11+$0x0] =	vst v20;
	v19 =	vld.idx.msk [tilespmem:v21+s2+$0x0], $0xffff  }
0x91: {  	v16 =	vld.idx.msk [tilespmem:v16+s2+$0x0], $0xffff;
	[tilespmem:s11+$0x30] =	vst v18  }
0x92: {  	v1 =	vadd.s32 $0x1B58, v1;
	v18 =	vld.idx.msk [tilespmem:v49+s2+$0x0], $0xffff;
	[tilespmem:s11+$0x40] =	vst v23  }
0x93: {  	v20 =	vld.idx.msk [tilespmem:v52+s2+$0x0], $0xffff;
	[tilespmem:s11+$0x50] =	vst v22  }
0x94: {  	v21 =	vld.idx.msk [tilespmem:v53+s2+$0x0], $0xffff;
	[tilespmem:s11+$0x60] =	vst v24  }
0x95: {  	[tilespmem:s11+$0x90] =	vst v25;
	v17 =	vld.idx.msk [tilespmem:v17+s2+$0x0], $0xffff  }
0x96: {  	v22 =	vld.idx.msk [tilespmem:v55+s2+$0x0], $0xffff;
	[tilespmem:s11+$0x170] =	vst v19  }
0x97: {  	[tilespmem:s11+$0x80] =	vst v16;
	v1 =	vld.idx.msk [tilespmem:v1+s2+$0x0], $0xffff  }
0x98: {  	v14 =	vld.idx.msk [tilespmem:v14+s2+$0x0], $0xffff;
	[tilespmem:s11+$0xA0] =	vst v18  }
0x99: {  	v11 =	vld.idx.msk [tilespmem:v11+s2+$0x0], $0xffff;
	[tilespmem:s11+$0xB0] =	vst v20  }
0x9a: {  	v15 =	vld.idx.msk [tilespmem:v15+s2+$0x0], $0xffff;
	[tilespmem:s11+$0xC0] =	vst v21  }
0x9b: {  	v12 =	vld.idx.msk [tilespmem:v12+s2+$0x0], $0xffff;
	[tilespmem:s11+$0xD0] =	vst v17  }
0x9c: {  	v10 =	vld.idx.msk [tilespmem:v10+s2+$0x0], $0xffff;
	[tilespmem:s11+$0xE0] =	vst v22  }
0x9d: {  	v13 =	vld.idx.msk [tilespmem:v13+s2+$0x0], $0xffff;
	[tilespmem:s11+$0x1F0] =	vst v1  }
0x9e: {  	[tilespmem:s11+$0x100] =	vst v14;
	v9 =	vld.idx.msk [tilespmem:v9+s2+$0x0], $0xffff  }
.Ltmp0:
0x9f: {  	v4 =	vld.idx.msk [tilespmem:v4+s2+$0x0], $0xffff;
	[tilespmem:s11+$0x110] =	vst v11;
	(pc) =	sbr.rel @p0 .LBB2_2-.Ltmp0, $4  }
0xa0: {  	v8 =	vld.idx.msk [tilespmem:v8+s2+$0x0], $0xffff;
	[tilespmem:s11+$0x120] =	vst v15  }
0xa1: {  	v6 =	vld.idx.msk [tilespmem:v6+s2+$0x0], $0xffff;
	[tilespmem:s11+$0x130] =	vst v12  }
0xa2: {  	v5 =	vld.idx.msk [tilespmem:v5+s2+$0x0], $0xffff;
	[tilespmem:s11+$0x140] =	vst v10  }
0xa3: {  	s13 =	sadd.s32 $0x80, s13;
	v7 =	vld.idx.msk [tilespmem:v7+s2+$0x0], $0xffff;
	[tilespmem:s11+$0x150] =	vst v13  }
0xa4: {  	_ =	sdelay $0x2  }
0xa5: {  	[tilespmem:s11+$0x160] =	vst v9  }
0xa6: {  	[tilespmem:s11+$0x180] =	vst v4;
	v1 =	vld.idx.msk [tilespmem:v3+s2+$0x0], $0xffff  }
0xa7: {  	[tilespmem:s11+$0x190] =	vst v8;
	v2 =	vld.idx.msk [tilespmem:v2+s2+$0x0], $0xffff  }
0xa8: {  	[tilespmem:s11+$0x1A0] =	vst v6  }
0xa9: {  	[tilespmem:s11+$0x1B0] =	vst v5  }
0xaa: {  	s10 =	sadd.s32 $0x1, s10;
	[tilespmem:s11+$0x1C0] =	vst v7  }
0xab: {  	p0 =	sne.s32 s10, s6;
	[tilespmem:s11+$0x1D0] =	vst v1  }
.Ltmp1:
0xac: {  	[tilespmem:s11+$0x1E0] =	vst v2;
	(pc) =	sbr.rel @p0 .LBB2_1-.Ltmp1, $4  }
0xad: {  	[hbm4b:s5+s2] =	stream.linear.scatter [tilespmem:s9], [sflag:$0x1], $0x8000, $0x38;
	[tilespmem:$0x10D00] =	vst v63  }
0xae: {  	_ =	swait.ge [sflag:s7], $0x8000  }
0xaf: {  	[sflag:s7] =	ssyncset.done $0x0  }
0xb0: {  	[sflag:s7] =	ssyncadd.s32 $0xFFFF8000  }
0xb1: {  	_ =	sfence.sel $0x180000  }
0xb2: {  	[bflag:$0x0] =	sbarrier.arrive $0xFFFF  }
0xb3: {  	p0 =	sne.s32 s1, $0x0;
	_ =	strace $0x90000047  }
0xb4: {  	s0 =	sadd.s32 @!p0 $0x100000, s0;
	[bflag:$0x2] =	sbarrier.arrive $0xFFFF  }
0xb5: {  	[sflag:s0] =	ssyncadd.tile.s32 @!p0 $0x1;
	_ =	shalt  }
.Lfunc_end2:
_tile_overlayer_lowered:
.L_overlay_start_2:
0xb6: {  	(tag) =	ssettag $0x2  }
0xb7: {  	s0 =	rddreg [dreg:$0x0];
	s2 =	stileid.u32  }
0xb8: {  	s1 =	rddreg [dreg:$0x1];
	p0 =	sne.s32 s2, $0x0  }
0xb9: {  	s3 =	rddreg [dreg:$0x2];
	[bflag:$0x3] =	sbarrier.arrive $0xFFFF;
	s2 =	simm.s32 @!p0 $0x1C01  }
0xba: {  	[timem:s3], [sflag:s2] =	dma.local @!p0 [hbm:s0], s1  }
0xbb: {  	s0 =	simm.s32 @!p0 $0x1  }
0xbc: {  	_ =	swait.ge @!p0 [sflag:s0], s1  }
0xbd: {  	s1 =	ssub.s32 @!p0 $0x0, s1;
	[sflag:s0] =	ssyncset.done @!p0 $0x0  }
0xbe: {  	[sflag:s0] =	ssyncadd.s32 @!p0 s1  }
0xbf: {  	[bflag:$0x3] =	sbarrier.arrive $0xFFFF  }
0xc0: {  	_ =	shalt  }

</sc_bundles>
